<compile_context>
chip_gen: v7x
topology: tpu7x:2x2x1
jax: 0.10.2.dev20260603
libtpu: 0.0.44.dev20260713+nightly
codegen_flags: <defaults>
</compile_context>

<pallas_src>
import jax
import jax.numpy as jnp
from jax.experimental import pallas as pl
from jax.experimental.pallas import tpu as pltpu

_NP = 5120
_BLK = 128
_NBLK = _NP // _BLK
_SBB = 4
_SBW = _SBB * _BLK
_IOU_THRESHOLD = 0.5


def _nms_kernel(lo_ref, hi_ref, data_ref, data_t_ref, out_ref, d_ref):
    s = data_ref[4:5, :]
    v = data_ref[6:7, :]

    x1 = data_ref[0:1, :]
    y1 = data_ref[1:2, :]
    x2 = data_ref[2:3, :]
    y2 = data_ref[3:4, :]
    cmax = jnp.maximum(jnp.maximum(x1, x2), jnp.maximum(y1, y2))
    cmax = jnp.where(v > 0, cmax, -jnp.inf)
    m = jnp.max(cmax)

    d_ref[...] = jnp.zeros((_NP, _NP), jnp.int8)

    def _tile_parts(r, c, cw):
        ccls = data_ref[5:6, pl.ds(c, cw)]
        coff = ccls * (m + 1.0)
        cx1 = data_ref[0:1, pl.ds(c, cw)] + coff
        cy1 = data_ref[1:2, pl.ds(c, cw)] + coff
        cx2 = data_ref[2:3, pl.ds(c, cw)] + coff
        cy2 = data_ref[3:4, pl.ds(c, cw)] + coff
        cs = data_ref[4:5, pl.ds(c, cw)]
        cid = data_ref[7:8, pl.ds(c, cw)]
        carea = (cx2 - cx1) * (cy2 - cy1)

        rows = data_t_ref[pl.ds(r * _BLK, _BLK), :]
        boff = rows[:, 5:6] * (m + 1.0)
        bx1 = rows[:, 0:1] + boff
        by1 = rows[:, 1:2] + boff
        bx2 = rows[:, 2:3] + boff
        by2 = rows[:, 3:4] + boff
        bs = rows[:, 4:5]
        bid = rows[:, 7:8]
        barea = (bx2 - bx1) * (by2 - by1)

        ix1 = jnp.maximum(bx1, cx1)
        iy1 = jnp.maximum(by1, cy1)
        ix2 = jnp.minimum(bx2, cx2)
        iy2 = jnp.minimum(by2, cy2)
        w = jnp.maximum(ix2 - ix1, 0.0)
        h = jnp.maximum(iy2 - iy1, 0.0)
        inter = w * h
        asum = barea + carea
        iou_gt = 3.0 * inter > asum

        dom = (bs > cs) | ((bs == cs) & (bid < cid))
        return iou_gt, dom, bid == cid

    def build_offdiag(k, carry):
        r, s0 = carry
        c = jnp.minimum(s0 + k * _SBB, _NBLK - _SBB) * _BLK
        iou_gt, dom, selfp = _tile_parts(r, c, _SBW)
        up = (iou_gt & dom).astype(jnp.int8)
        down = (iou_gt & (~dom) & (~selfp)).astype(jnp.int8)
        d_ref[pl.ds(r * _BLK, _BLK), pl.ds(c, _SBW)] = up
        d_ref[pl.ds(c, _SBW), pl.ds(r * _BLK, _BLK)] = down.T
        return carry

    def build_row(r, carry):
        iou_gt, dom, _ = _tile_parts(r, r * _BLK, _BLK)
        d_ref[pl.ds(r * _BLK, _BLK), pl.ds(r * _BLK, _BLK)] = (
            (iou_gt & dom).astype(jnp.int8))
        s0 = jnp.minimum(jnp.maximum(lo_ref[r], r + 1), _NBLK)
        nsb = (hi_ref[r] - s0 + _SBB - 1) // _SBB
        jax.lax.fori_loop(0, nsb, build_offdiag, (r, s0))
        return carry

    jax.lax.fori_loop(0, _NBLK, build_row, 0)

    keep0 = jnp.ones((1, _NP), jnp.float32)

    def sweep(keep):
        ki8 = keep.astype(jnp.int8)
        supp = jax.lax.dot_general(
            ki8, d_ref[...],
            dimension_numbers=(((1,), (0,)), ((), ())),
            preferred_element_type=jnp.int32,
        )
        return jnp.where(supp == 0, 1.0, 0.0).astype(jnp.float32)

    def cond(carry):
        changed, _ = carry
        return changed

    def body(carry):
        _, keep = carry
        nk = sweep(keep)
        return jnp.any(nk != keep), nk

    _, keep = jax.lax.while_loop(cond, body, (jnp.asarray(True), keep0))

    out_ref[...] = jnp.concatenate(
        [keep, jnp.zeros((7, _NP), jnp.float32)], axis=0)


def kernel(boxes, scores, class_ids):
    n = boxes.shape[0]
    order = jnp.argsort(class_ids, stable=True)
    base = jnp.concatenate(
        [boxes,
         scores[:, None],
         class_ids.astype(jnp.float32)[:, None],
         jnp.ones((n, 1), jnp.float32),
         jnp.arange(n, dtype=jnp.float32)[:, None]], axis=1)
    sorted8 = base[order]
    data_t = jnp.pad(sorted8, ((0, _NP - n), (0, 0)))
    data = data_t.T

    scls = sorted8[:, 5]
    nclass = 32
    cgrid = jnp.arange(nclass, dtype=jnp.float32)
    starts = jnp.searchsorted(scls, cgrid, side="left")
    ends = jnp.searchsorted(scls, cgrid, side="right")
    rstart = jnp.minimum(jnp.arange(_NBLK) * _BLK, n - 1)
    rend = jnp.minimum(jnp.arange(_NBLK) * _BLK + _BLK - 1, n - 1)
    cfirst = scls[rstart].astype(jnp.int32)
    clast = scls[rend].astype(jnp.int32)
    lo = (starts[cfirst] // _BLK).astype(jnp.int32)
    hi = ((ends[clast] + _BLK - 1) // _BLK).astype(jnp.int32)
    all_pad = jnp.arange(_NBLK) * _BLK >= n
    lo = jnp.where(all_pad, 0, lo)
    hi = jnp.where(all_pad, 0, hi)

    out = pl.pallas_call(
        _nms_kernel,
        out_shape=jax.ShapeDtypeStruct((8, _NP), jnp.float32),
        in_specs=[
            pl.BlockSpec(memory_space=pltpu.SMEM),
            pl.BlockSpec(memory_space=pltpu.SMEM),
            pl.BlockSpec(memory_space=pltpu.VMEM),
            pl.BlockSpec(memory_space=pltpu.VMEM),
        ],
        out_specs=pl.BlockSpec(memory_space=pltpu.VMEM),
        scratch_shapes=[pltpu.VMEM((_NP, _NP), jnp.int8)],
    )(lo, hi, data, data_t)

    keep_sorted = out[0, :n]
    perm = (order[:, None] == jnp.arange(n)[None, :]).astype(jnp.bfloat16)
    keep_mask = jax.lax.dot_general(
        keep_sorted[None, :].astype(jnp.bfloat16), perm,
        (((1,), (0,)), ((), ())),
        preferred_element_type=jnp.float32)[0]
    kept_scores = scores * keep_mask
    return (keep_mask, kept_scores)

# --- scband reference (transcript-rebuilt; emitter-appended) ---
"""Pipeline reference for scband-fcos-59974923321927 (READ-ONLY COPY).

The authoritative reference and input builder live on the scoring server;
editing this copy changes nothing except your own understanding.
"""

import jax, jax.numpy as jnp
import numpy as np

IOU_THRESHOLD = 0.5


def _keep_mask(boxes, scores, iou_threshold):
    # Greedy NMS: sort by score desc, suppress later boxes with IoU > threshold.
    N = boxes.shape[0]
    order = jnp.argsort(-scores)
    b = boxes[order]
    x1, y1, x2, y2 = b[:, 0], b[:, 1], b[:, 2], b[:, 3]
    areas = (x2 - x1) * (y2 - y1)
    ix1 = jnp.maximum(x1[:, None], x1[None, :])
    iy1 = jnp.maximum(y1[:, None], y1[None, :])
    ix2 = jnp.minimum(x2[:, None], x2[None, :])
    iy2 = jnp.minimum(y2[:, None], y2[None, :])
    w = jnp.clip(ix2 - ix1, 0.0)
    h = jnp.clip(iy2 - iy1, 0.0)
    inter = w * h
    union = areas[:, None] + areas[None, :] - inter
    iou = inter / jnp.maximum(union, 1e-9)
    idx = jnp.arange(N)

    def body(i, keep):
        row = iou[i]
        suppress = (row > iou_threshold) & (idx > i) & keep[i]
        return keep & (~suppress)

    keep_sorted = jax.lax.fori_loop(0, N, body, jnp.ones(N, dtype=bool))
    # map keep mask back to original (unsorted) box order
    mask = jnp.zeros(N, dtype=bool).at[order].set(keep_sorted)
    return mask


def setup_inputs(seed: int = 0) -> dict:
    key = jax.random.key(seed)
    k1, k2, k3, k4 = jax.random.split(key, 4)
    N = 5000
    xy = jax.random.uniform(k1, (N, 2), dtype=jnp.float32) * 512.0
    wh = jax.random.uniform(k2, (N, 2), dtype=jnp.float32) * 96.0 + 4.0
    boxes = jnp.concatenate([xy, xy + wh], axis=1).astype(jnp.float32)
    scores = jax.random.uniform(k3, (N,), dtype=jnp.float32)
    class_ids = jax.random.randint(k4, (N,), 0, 20)
    return {"boxes": boxes, "scores": scores, "class_ids": class_ids}


def reference(boxes, scores, class_ids):
    # class-specific NMS via per-class coordinate offsets (class_spec_nms)
    max_coordinate = boxes.max()
    offsets = class_ids.astype(boxes.dtype) * (max_coordinate + 1.0)
    boxes_for_nms = boxes + offsets[:, None]
    mask = _keep_mask(boxes_for_nms, scores, IOU_THRESHOLD)
    keep_mask = mask.astype(jnp.float32)
    kept_scores = scores * keep_mask
    return (keep_mask, kept_scores)

if __name__ == "__main__":
    import jax
    _d = setup_inputs()
    print(jax.jit(kernel)(*tuple(_d.values())))

</pallas_src>

<mosaic_0001>
module attributes {stable_mosaic.version = 14 : i64} {
  func.func @_nms_kernel(%arg0: memref<40xi32, #tpu.memory_space<smem>>, %arg1: memref<40xi32, #tpu.memory_space<smem>>, %arg2: memref<8x5120xf32, #tpu.memory_space<vmem>>, %arg3: memref<5120x8xf32, #tpu.memory_space<vmem>>, %arg4: memref<8x5120xf32, #tpu.memory_space<vmem>>, %arg5: memref<5120x5120xi8, #tpu.memory_space<vmem>>) attributes {dimension_semantics = [], scalar_prefetch = 0 : i64, scratch_operands = 1 : i64, tpu.core_type = #tpu.core_type<tc>} {
    %get3A = arith.constant 6 : index
    %get3A_0 = arith.constant 0 : index
    %get3A_1 = vector.load %arg2[%get3A, %get3A_0] : memref<8x5120xf32, #tpu.memory_space<vmem>>, vector<1x5120xf32>
    %get3A_2 = arith.constant 0 : index
    %get3A_3 = arith.constant 0 : index
    %get3A_4 = vector.load %arg2[%get3A_2, %get3A_3] : memref<8x5120xf32, #tpu.memory_space<vmem>>, vector<1x5120xf32>
    %get3A_5 = arith.constant 1 : index
    %get3A_6 = arith.constant 0 : index
    %get3A_7 = vector.load %arg2[%get3A_5, %get3A_6] : memref<8x5120xf32, #tpu.memory_space<vmem>>, vector<1x5120xf32>
    %get3A_8 = arith.constant 2 : index
    %get3A_9 = arith.constant 0 : index
    %get3A_10 = vector.load %arg2[%get3A_8, %get3A_9] : memref<8x5120xf32, #tpu.memory_space<vmem>>, vector<1x5120xf32>
    %get3A_11 = arith.constant 3 : index
    %get3A_12 = arith.constant 0 : index
    %get3A_13 = vector.load %arg2[%get3A_11, %get3A_12] : memref<8x5120xf32, #tpu.memory_space<vmem>>, vector<1x5120xf32>
    %max3A = arith.maximumf %get3A_4, %get3A_10 : vector<1x5120xf32>
    %max3A_14 = arith.maximumf %get3A_7, %get3A_13 : vector<1x5120xf32>
    %max3A_15 = arith.maximumf %max3A, %max3A_14 : vector<1x5120xf32>
    %gt3A = arith.constant 0.000000e+00 : f32
    %gt3A_16 = vector.broadcast %gt3A : f32 to vector<1x5120xf32>
    %gt3A_17 = arith.cmpf ogt, %get3A_1, %gt3A_16 : vector<1x5120xf32>
    %jit3A = arith.constant 0xFF800000 : f32
    %broadcast_in_dim3A = vector.broadcast %jit3A : f32 to vector<1x5120xf32>
    %select_n3A = arith.select %gt3A_17, %max3A_15, %broadcast_in_dim3A : vector<1x5120xi1>, vector<1x5120xf32>
    %reduce_max3A = vector.shape_cast %select_n3A : vector<1x5120xf32> to vector<1x1x5120xf32>
    %reduce_max3A_18 = arith.constant dense<0xFF800000> : vector<1xf32>
    %reduce_max3A_19 = vector.multi_reduction <maximumf>, %reduce_max3A, %reduce_max3A_18 [1, 2] : vector<1x1x5120xf32> to vector<1xf32>
    %reduce_max3A_20 = vector.shape_cast %reduce_max3A_19 : vector<1xf32> to vector<1x1x1xf32>
    %reduce_max3A_21 = vector.extract %reduce_max3A_20[0, 0, 0] : f32 from vector<1x1x1xf32>
    %broadcast_in_dim3A_22 = arith.constant 0 : i8
    %broadcast_in_dim3A_23 = vector.broadcast %broadcast_in_dim3A_22 : i8 to vector<5120x5120xi8>
    %swap3A = arith.constant 0 : index
    %swap3A_24 = arith.constant 0 : index
    %swap3A_25 = vector.load %arg5[%swap3A, %swap3A_24] : memref<5120x5120xi8, #tpu.memory_space<vmem>>, vector<5120x5120xi8>
    tpu.vector_store %arg5[%swap3A, %swap3A_24], %broadcast_in_dim3A_23 {strides = array<i32>} : memref<5120x5120xi8, #tpu.memory_space<vmem>>, vector<5120x5120xi8>,
    %scan3A = arith.constant 0 : i32
    %scan3A_26 = arith.constant 40 : i32
    %scan3A_27 = arith.addi %scan3A, %scan3A_26 : i32
    %scan3A_28 = arith.constant 1 : i32
    scf.for %scan3A_38 = %scan3A to %scan3A_27 step %scan3A_28  : i32 {
      %mul3A = arith.constant 128 : i32
      %mul3A_39 = arith.muli %scan3A_38, %mul3A : i32
      %get3A_40 = arith.constant 5 : index
      %get3A_41 = arith.index_cast %mul3A_39 : i32 to index
      %get3A_42 = vector.load %arg2[%get3A_40, %get3A_41] : memref<8x5120xf32, #tpu.memory_space<vmem>>, vector<1x128xf32>
      %add3A = arith.constant 1.000000e+00 : f32
      %add3A_43 = arith.addf %reduce_max3A_21, %add3A : f32
      %mul3A_44 = vector.broadcast %add3A_43 : f32 to vector<1x128xf32>
      %mul3A_45 = arith.mulf %get3A_42, %mul3A_44 : vector<1x128xf32>
      %get3A_46 = arith.constant 0 : index
      %get3A_47 = arith.index_cast %mul3A_39 : i32 to index
      %get3A_48 = vector.load %arg2[%get3A_46, %get3A_47] : memref<8x5120xf32, #tpu.memory_space<vmem>>, vector<1x128xf32>
      %add3A_49 = arith.addf %get3A_48, %mul3A_45 : vector<1x128xf32>
      %get3A_50 = arith.constant 1 : index
      %get3A_51 = arith.index_cast %mul3A_39 : i32 to index
      %get3A_52 = vector.load %arg2[%get3A_50, %get3A_51] : memref<8x5120xf32, #tpu.memory_space<vmem>>, vector<1x128xf32>
      %add3A_53 = arith.addf %get3A_52, %mul3A_45 : vector<1x128xf32>
      %get3A_54 = arith.constant 2 : index
      %get3A_55 = arith.index_cast %mul3A_39 : i32 to index
      %get3A_56 = vector.load %arg2[%get3A_54, %get3A_55] : memref<8x5120xf32, #tpu.memory_space<vmem>>, vector<1x128xf32>
      %add3A_57 = arith.addf %get3A_56, %mul3A_45 : vector<1x128xf32>
      %get3A_58 = arith.constant 3 : index
      %get3A_59 = arith.index_cast %mul3A_39 : i32 to index
      %get3A_60 = vector.load %arg2[%get3A_58, %get3A_59] : memref<8x5120xf32, #tpu.memory_space<vmem>>, vector<1x128xf32>
      %add3A_61 = arith.addf %get3A_60, %mul3A_45 : vector<1x128xf32>
      %get3A_62 = arith.constant 4 : index
      %get3A_63 = arith.index_cast %mul3A_39 : i32 to index
      %get3A_64 = vector.load %arg2[%get3A_62, %get3A_63] : memref<8x5120xf32, #tpu.memory_space<vmem>>, vector<1x128xf32>
      %get3A_65 = arith.constant 7 : index
      %get3A_66 = arith.index_cast %mul3A_39 : i32 to index
      %get3A_67 = vector.load %arg2[%get3A_65, %get3A_66] : memref<8x5120xf32, #tpu.memory_space<vmem>>, vector<1x128xf32>
      %sub3A = arith.subf %add3A_57, %add3A_49 : vector<1x128xf32>
      %sub3A_68 = arith.subf %add3A_61, %add3A_53 : vector<1x128xf32>
      %mul3A_69 = arith.mulf %sub3A, %sub3A_68 : vector<1x128xf32>
      %mul3A_70 = arith.constant 128 : i32
      %mul3A_71 = arith.muli %scan3A_38, %mul3A_70 : i32
      %get3A_72 = arith.index_cast %mul3A_71 : i32 to index
      %get3A_73 = arith.constant 0 : index
      %get3A_74 = vector.load %arg3[%get3A_72, %get3A_73] : memref<5120x8xf32, #tpu.memory_space<vmem>>, vector<128x8xf32>
      %slice3A = vector.extract_strided_slice %get3A_74 {offsets = [0, 5], sizes = [128, 1], strides = [1, 1]} : vector<128x8xf32> to vector<128x1xf32>
      %add3A_75 = arith.constant 1.000000e+00 : f32
      %add3A_76 = arith.addf %reduce_max3A_21, %add3A_75 : f32
      %mul3A_77 = vector.broadcast %add3A_76 : f32 to vector<128x1xf32>
      %mul3A_78 = arith.mulf %slice3A, %mul3A_77 : vector<128x1xf32>
      %slice3A_79 = vector.extract_strided_slice %get3A_74 {offsets = [0, 0], sizes = [128, 1], strides = [1, 1]} : vector<128x8xf32> to vector<128x1xf32>
      %add3A_80 = arith.addf %slice3A_79, %mul3A_78 : vector<128x1xf32>
      %slice3A_81 = vector.extract_strided_slice %get3A_74 {offsets = [0, 1], sizes = [128, 1], strides = [1, 1]} : vector<128x8xf32> to vector<128x1xf32>
      %add3A_82 = arith.addf %slice3A_81, %mul3A_78 : vector<128x1xf32>
      %slice3A_83 = vector.extract_strided_slice %get3A_74 {offsets = [0, 2], sizes = [128, 1], strides = [1, 1]} : vector<128x8xf32> to vector<128x1xf32>
      %add3A_84 = arith.addf %slice3A_83, %mul3A_78 : vector<128x1xf32>
      %slice3A_85 = vector.extract_strided_slice %get3A_74 {offsets = [0, 3], sizes = [128, 1], strides = [1, 1]} : vector<128x8xf32> to vector<128x1xf32>
      %add3A_86 = arith.addf %slice3A_85, %mul3A_78 : vector<128x1xf32>
      %slice3A_87 = vector.extract_strided_slice %get3A_74 {offsets = [0, 4], sizes = [128, 1], strides = [1, 1]} : vector<128x8xf32> to vector<128x1xf32>
      %slice3A_88 = vector.extract_strided_slice %get3A_74 {offsets = [0, 7], sizes = [128, 1], strides = [1, 1]} : vector<128x8xf32> to vector<128x1xf32>
      %sub3A_89 = arith.subf %add3A_84, %add3A_80 : vector<128x1xf32>
      %sub3A_90 = arith.subf %add3A_86, %add3A_82 : vector<128x1xf32>
      %mul3A_91 = arith.mulf %sub3A_89, %sub3A_90 : vector<128x1xf32>
      %max3A_92 = vector.broadcast %add3A_80 : vector<128x1xf32> to vector<128x128xf32>
      %max3A_93 = vector.broadcast %add3A_49 : vector<1x128xf32> to vector<128x128xf32>
      %max3A_94 = arith.maximumf %max3A_92, %max3A_93 : vector<128x128xf32>
      %max3A_95 = vector.broadcast %add3A_82 : vector<128x1xf32> to vector<128x128xf32>
      %max3A_96 = vector.broadcast %add3A_53 : vector<1x128xf32> to vector<128x128xf32>
      %max3A_97 = arith.maximumf %max3A_95, %max3A_96 : vector<128x128xf32>
      %min3A = vector.broadcast %add3A_84 : vector<128x1xf32> to vector<128x128xf32>
      %min3A_98 = vector.broadcast %add3A_57 : vector<1x128xf32> to vector<128x128xf32>
      %min3A_99 = arith.minimumf %min3A, %min3A_98 : vector<128x128xf32>
      %min3A_100 = vector.broadcast %add3A_86 : vector<128x1xf32> to vector<128x128xf32>
      %min3A_101 = vector.broadcast %add3A_61 : vector<1x128xf32> to vector<128x128xf32>
      %min3A_102 = arith.minimumf %min3A_100, %min3A_101 : vector<128x128xf32>
      %sub3A_103 = arith.subf %min3A_99, %max3A_94 : vector<128x128xf32>
      %max3A_104 = arith.constant 0.000000e+00 : f32
      %max3A_105 = vector.broadcast %max3A_104 : f32 to vector<128x128xf32>
      %max3A_106 = arith.maximumf %sub3A_103, %max3A_105 : vector<128x128xf32>
      %sub3A_107 = arith.subf %min3A_102, %max3A_97 : vector<128x128xf32>
      %max3A_108 = arith.constant 0.000000e+00 : f32
      %max3A_109 = vector.broadcast %max3A_108 : f32 to vector<128x128xf32>
      %max3A_110 = arith.maximumf %sub3A_107, %max3A_109 : vector<128x128xf32>
      %mul3A_111 = arith.mulf %max3A_106, %max3A_110 : vector<128x128xf32>
      %add3A_112 = vector.broadcast %mul3A_91 : vector<128x1xf32> to vector<128x128xf32>
      %add3A_113 = vector.broadcast %mul3A_69 : vector<1x128xf32> to vector<128x128xf32>
      %add3A_114 = arith.addf %add3A_112, %add3A_113 : vector<128x128xf32>
      %mul3A_115 = arith.constant 3.000000e+00 : f32
      %mul3A_116 = vector.broadcast %mul3A_115 : f32 to vector<128x128xf32>
      %mul3A_117 = arith.mulf %mul3A_116, %mul3A_111 : vector<128x128xf32>
      %gt3A_118 = arith.cmpf ogt, %mul3A_117, %add3A_114 : vector<128x128xf32>
      %gt3A_119 = vector.broadcast %slice3A_87 : vector<128x1xf32> to vector<128x128xf32>
      %gt3A_120 = vector.broadcast %get3A_64 : vector<1x128xf32> to vector<128x128xf32>
      %gt3A_121 = arith.cmpf ogt, %gt3A_119, %gt3A_120 : vector<128x128xf32>
      %eq3A = vector.broadcast %slice3A_87 : vector<128x1xf32> to vector<128x128xf32>
      %eq3A_122 = vector.broadcast %get3A_64 : vector<1x128xf32> to vector<128x128xf32>
      %eq3A_123 = arith.cmpf oeq, %eq3A, %eq3A_122 : vector<128x128xf32>
      %lt3A = vector.broadcast %slice3A_88 : vector<128x1xf32> to vector<128x128xf32>
      %lt3A_124 = vector.broadcast %get3A_67 : vector<1x128xf32> to vector<128x128xf32>
      %lt3A_125 = arith.cmpf olt, %lt3A, %lt3A_124 : vector<128x128xf32>
      %and3A = arith.andi %eq3A_123, %lt3A_125 : vector<128x128xi1>
      %or3A = arith.ori %gt3A_121, %and3A : vector<128x128xi1>
      %and3A_126 = arith.andi %gt3A_118, %or3A : vector<128x128xi1>
      %convert_element_type3A = arith.extui %and3A_126 : vector<128x128xi1> to vector<128x128xi8>
      %mul3A_127 = arith.constant 128 : i32
      %mul3A_128 = arith.muli %scan3A_38, %mul3A_127 : i32
      %mul3A_129 = arith.constant 128 : i32
      %mul3A_130 = arith.muli %scan3A_38, %mul3A_129 : i32
      %swap3A_131 = arith.index_cast %mul3A_128 : i32 to index
      %swap3A_132 = arith.index_cast %mul3A_130 : i32 to index
      %swap3A_133 = vector.load %arg5[%swap3A_131, %swap3A_132] : memref<5120x5120xi8, #tpu.memory_space<vmem>>, vector<128x128xi8>
      tpu.vector_store %arg5[%swap3A_131, %swap3A_132], %convert_element_type3A {strides = array<i32>} : memref<5120x5120xi8, #tpu.memory_space<vmem>>, vector<128x128xi8>,
      %get3A_134 = arith.index_cast %scan3A_38 : i32 to index
      %get3A_135 = memref.load %arg0[%get3A_134] : memref<40xi32, #tpu.memory_space<smem>>
      %add3A_136 = arith.constant 1 : i32
      %add3A_137 = arith.addi %scan3A_38, %add3A_136 : i32
      %max3A_138 = arith.maxsi %get3A_135, %add3A_137 : i32
      %min3A_139 = arith.constant 40 : i32
      %min3A_140 = arith.minsi %max3A_138, %min3A_139 : i32
      %get3A_141 = arith.index_cast %scan3A_38 : i32 to index
      %get3A_142 = memref.load %arg1[%get3A_141] : memref<40xi32, #tpu.memory_space<smem>>
      %sub3A_143 = arith.subi %get3A_142, %min3A_140 : i32
      %add3A_144 = arith.constant 4 : i32
      %add3A_145 = arith.addi %sub3A_143, %add3A_144 : i32
      %sub3A_146 = arith.constant 1 : i32
      %sub3A_147 = arith.subi %add3A_145, %sub3A_146 : i32
      %jit3A_148 = arith.constant 4 : i32
      %div3A = arith.divsi %sub3A_147, %jit3A_148 : i32
      %sign3A = arith.constant 0 : i32
      %sign3A_149 = arith.cmpi sgt, %sub3A_147, %sign3A : i32
      %sign3A_150 = arith.extui %sign3A_149 : i1 to i32
      %sign3A_151 = arith.constant 0 : i32
      %sign3A_152 = arith.cmpi slt, %sub3A_147, %sign3A_151 : i32
      %sign3A_153 = arith.extui %sign3A_152 : i1 to i32
      %sign3A_154 = arith.subi %sign3A_150, %sign3A_153 : i32
      %sign3A_155 = arith.constant 0 : i32
      %sign3A_156 = arith.cmpi sgt, %jit3A_148, %sign3A_155 : i32
      %sign3A_157 = arith.extui %sign3A_156 : i1 to i32
      %sign3A_158 = arith.constant 0 : i32
      %sign3A_159 = arith.cmpi slt, %jit3A_148, %sign3A_158 : i32
      %sign3A_160 = arith.extui %sign3A_159 : i1 to i32
      %sign3A_161 = arith.subi %sign3A_157, %sign3A_160 : i32
      %ne3A = arith.cmpi ne, %sign3A_154, %sign3A_161 : i32
      %rem3A = arith.remsi %sub3A_147, %jit3A_148 : i32
      %ne3A_162 = arith.constant 0 : i32
      %ne3A_163 = arith.cmpi ne, %rem3A, %ne3A_162 : i32
      %and3A_164 = arith.andi %ne3A, %ne3A_163 : i1
      %sub3A_165 = arith.constant 1 : i32
      %sub3A_166 = arith.subi %div3A, %sub3A_165 : i32
      %select_n3A_167 = arith.select %and3A_164, %sub3A_166, %div3A : i32
      %while3A_168 = arith.constant 0 : i32
      %while3A_169 = arith.subi %select_n3A_167, %while3A_168 : i32
      %while3A_170 = arith.addi %while3A_168, %while3A_169 : i32
      %while3A_171 = arith.constant 1 : i32
      %while3A_172 = arith.divsi %while3A_169, %while3A_171 : i32
      %while3A_173 = arith.muli %while3A_172, %while3A_171 : i32
      %while3A_174 = arith.addi %while3A_168, %while3A_173 : i32
      %while3A_175 = arith.constant 1 : i32
      scf.for %while3A_177 = %while3A_168 to %while3A_174 step %while3A_175  : i32 {
        %mul3A_178 = arith.constant 4 : i32
        %mul3A_179 = arith.muli %while3A_177, %mul3A_178 : i32
        %add3A_180 = arith.addi %min3A_140, %mul3A_179 : i32
        %min3A_181 = arith.constant 36 : i32
        %min3A_182 = arith.minsi %add3A_180, %min3A_181 : i32
        %mul3A_183 = arith.constant 128 : i32
        %mul3A_184 = arith.muli %min3A_182, %mul3A_183 : i32
        %get3A_185 = arith.constant 5 : index
        %get3A_186 = arith.index_cast %mul3A_184 : i32 to index
        %get3A_187 = vector.load %arg2[%get3A_185, %get3A_186] : memref<8x5120xf32, #tpu.memory_space<vmem>>, vector<1x512xf32>
        %add3A_188 = arith.constant 1.000000e+00 : f32
        %add3A_189 = arith.addf %reduce_max3A_21, %add3A_188 : f32
        %mul3A_190 = vector.broadcast %add3A_189 : f32 to vector<1x512xf32>
        %mul3A_191 = arith.mulf %get3A_187, %mul3A_190 : vector<1x512xf32>
        %get3A_192 = arith.constant 0 : index
        %get3A_193 = arith.index_cast %mul3A_184 : i32 to index
        %get3A_194 = vector.load %arg2[%get3A_192, %get3A_193] : memref<8x5120xf32, #tpu.memory_space<vmem>>, vector<1x512xf32>
        %add3A_195 = arith.addf %get3A_194, %mul3A_191 : vector<1x512xf32>
        %get3A_196 = arith.constant 1 : index
        %get3A_197 = arith.index_cast %mul3A_184 : i32 to index
        %get3A_198 = vector.load %arg2[%get3A_196, %get3A_197] : memref<8x5120xf32, #tpu.memory_space<vmem>>, vector<1x512xf32>
        %add3A_199 = arith.addf %get3A_198, %mul3A_191 : vector<1x512xf32>
        %get3A_200 = arith.constant 2 : index
        %get3A_201 = arith.index_cast %mul3A_184 : i32 to index
        %get3A_202 = vector.load %arg2[%get3A_200, %get3A_201] : memref<8x5120xf32, #tpu.memory_space<vmem>>, vector<1x512xf32>
        %add3A_203 = arith.addf %get3A_202, %mul3A_191 : vector<1x512xf32>
        %get3A_204 = arith.constant 3 : index
        %get3A_205 = arith.index_cast %mul3A_184 : i32 to index
        %get3A_206 = vector.load %arg2[%get3A_204, %get3A_205] : memref<8x5120xf32, #tpu.memory_space<vmem>>, vector<1x512xf32>
        %add3A_207 = arith.addf %get3A_206, %mul3A_191 : vector<1x512xf32>
        %get3A_208 = arith.constant 4 : index
        %get3A_209 = arith.index_cast %mul3A_184 : i32 to index
        %get3A_210 = vector.load %arg2[%get3A_208, %get3A_209] : memref<8x5120xf32, #tpu.memory_space<vmem>>, vector<1x512xf32>
        %get3A_211 = arith.constant 7 : index
        %get3A_212 = arith.index_cast %mul3A_184 : i32 to index
        %get3A_213 = vector.load %arg2[%get3A_211, %get3A_212] : memref<8x5120xf32, #tpu.memory_space<vmem>>, vector<1x512xf32>
        %sub3A_214 = arith.subf %add3A_203, %add3A_195 : vector<1x512xf32>
        %sub3A_215 = arith.subf %add3A_207, %add3A_199 : vector<1x512xf32>
        %mul3A_216 = arith.mulf %sub3A_214, %sub3A_215 : vector<1x512xf32>
        %mul3A_217 = arith.constant 128 : i32
        %mul3A_218 = arith.muli %scan3A_38, %mul3A_217 : i32
        %get3A_219 = arith.index_cast %mul3A_218 : i32 to index
        %get3A_220 = arith.constant 0 : index
        %get3A_221 = vector.load %arg3[%get3A_219, %get3A_220] : memref<5120x8xf32, #tpu.memory_space<vmem>>, vector<128x8xf32>
        %slice3A_222 = vector.extract_strided_slice %get3A_221 {offsets = [0, 5], sizes = [128, 1], strides = [1, 1]} : vector<128x8xf32> to vector<128x1xf32>
        %add3A_223 = arith.constant 1.000000e+00 : f32
        %add3A_224 = arith.addf %reduce_max3A_21, %add3A_223 : f32
        %mul3A_225 = vector.broadcast %add3A_224 : f32 to vector<128x1xf32>
        %mul3A_226 = arith.mulf %slice3A_222, %mul3A_225 : vector<128x1xf32>
        %slice3A_227 = vector.extract_strided_slice %get3A_221 {offsets = [0, 0], sizes = [128, 1], strides = [1, 1]} : vector<128x8xf32> to vector<128x1xf32>
        %add3A_228 = arith.addf %slice3A_227, %mul3A_226 : vector<128x1xf32>
        %slice3A_229 = vector.extract_strided_slice %get3A_221 {offsets = [0, 1], sizes = [128, 1], strides = [1, 1]} : vector<128x8xf32> to vector<128x1xf32>
        %add3A_230 = arith.addf %slice3A_229, %mul3A_226 : vector<128x1xf32>
        %slice3A_231 = vector.extract_strided_slice %get3A_221 {offsets = [0, 2], sizes = [128, 1], strides = [1, 1]} : vector<128x8xf32> to vector<128x1xf32>
        %add3A_232 = arith.addf %slice3A_231, %mul3A_226 : vector<128x1xf32>
        %slice3A_233 = vector.extract_strided_slice %get3A_221 {offsets = [0, 3], sizes = [128, 1], strides = [1, 1]} : vector<128x8xf32> to vector<128x1xf32>
        %add3A_234 = arith.addf %slice3A_233, %mul3A_226 : vector<128x1xf32>
        %slice3A_235 = vector.extract_strided_slice %get3A_221 {offsets = [0, 4], sizes = [128, 1], strides = [1, 1]} : vector<128x8xf32> to vector<128x1xf32>
        %slice3A_236 = vector.extract_strided_slice %get3A_221 {offsets = [0, 7], sizes = [128, 1], strides = [1, 1]} : vector<128x8xf32> to vector<128x1xf32>
        %sub3A_237 = arith.subf %add3A_232, %add3A_228 : vector<128x1xf32>
        %sub3A_238 = arith.subf %add3A_234, %add3A_230 : vector<128x1xf32>
        %mul3A_239 = arith.mulf %sub3A_237, %sub3A_238 : vector<128x1xf32>
        %max3A_240 = vector.broadcast %add3A_228 : vector<128x1xf32> to vector<128x512xf32>
        %max3A_241 = vector.broadcast %add3A_195 : vector<1x512xf32> to vector<128x512xf32>
        %max3A_242 = arith.maximumf %max3A_240, %max3A_241 : vector<128x512xf32>
        %max3A_243 = vector.broadcast %add3A_230 : vector<128x1xf32> to vector<128x512xf32>
        %max3A_244 = vector.broadcast %add3A_199 : vector<1x512xf32> to vector<128x512xf32>
        %max3A_245 = arith.maximumf %max3A_243, %max3A_244 : vector<128x512xf32>
        %min3A_246 = vector.broadcast %add3A_232 : vector<128x1xf32> to vector<128x512xf32>
        %min3A_247 = vector.broadcast %add3A_203 : vector<1x512xf32> to vector<128x512xf32>
        %min3A_248 = arith.minimumf %min3A_246, %min3A_247 : vector<128x512xf32>
        %min3A_249 = vector.broadcast %add3A_234 : vector<128x1xf32> to vector<128x512xf32>
        %min3A_250 = vector.broadcast %add3A_207 : vector<1x512xf32> to vector<128x512xf32>
        %min3A_251 = arith.minimumf %min3A_249, %min3A_250 : vector<128x512xf32>
        %sub3A_252 = arith.subf %min3A_248, %max3A_242 : vector<128x512xf32>
        %max3A_253 = arith.constant 0.000000e+00 : f32
        %max3A_254 = vector.broadcast %max3A_253 : f32 to vector<128x512xf32>
        %max3A_255 = arith.maximumf %sub3A_252, %max3A_254 : vector<128x512xf32>
        %sub3A_256 = arith.subf %min3A_251, %max3A_245 : vector<128x512xf32>
        %max3A_257 = arith.constant 0.000000e+00 : f32
        %max3A_258 = vector.broadcast %max3A_257 : f32 to vector<128x512xf32>
        %max3A_259 = arith.maximumf %sub3A_256, %max3A_258 : vector<128x512xf32>
        %mul3A_260 = arith.mulf %max3A_255, %max3A_259 : vector<128x512xf32>
        %add3A_261 = vector.broadcast %mul3A_239 : vector<128x1xf32> to vector<128x512xf32>
        %add3A_262 = vector.broadcast %mul3A_216 : vector<1x512xf32> to vector<128x512xf32>
        %add3A_263 = arith.addf %add3A_261, %add3A_262 : vector<128x512xf32>
        %mul3A_264 = arith.constant 3.000000e+00 : f32
        %mul3A_265 = vector.broadcast %mul3A_264 : f32 to vector<128x512xf32>
        %mul3A_266 = arith.mulf %mul3A_265, %mul3A_260 : vector<128x512xf32>
        %gt3A_267 = arith.cmpf ogt, %mul3A_266, %add3A_263 : vector<128x512xf32>
        %gt3A_268 = vector.broadcast %slice3A_235 : vector<128x1xf32> to vector<128x512xf32>
        %gt3A_269 = vector.broadcast %get3A_210 : vector<1x512xf32> to vector<128x512xf32>
        %gt3A_270 = arith.cmpf ogt, %gt3A_268, %gt3A_269 : vector<128x512xf32>
        %eq3A_271 = vector.broadcast %slice3A_235 : vector<128x1xf32> to vector<128x512xf32>
        %eq3A_272 = vector.broadcast %get3A_210 : vector<1x512xf32> to vector<128x512xf32>
        %eq3A_273 = arith.cmpf oeq, %eq3A_271, %eq3A_272 : vector<128x512xf32>
        %lt3A_274 = vector.broadcast %slice3A_236 : vector<128x1xf32> to vector<128x512xf32>
        %lt3A_275 = vector.broadcast %get3A_213 : vector<1x512xf32> to vector<128x512xf32>
        %lt3A_276 = arith.cmpf olt, %lt3A_274, %lt3A_275 : vector<128x512xf32>
        %and3A_277 = arith.andi %eq3A_273, %lt3A_276 : vector<128x512xi1>
        %or3A_278 = arith.ori %gt3A_270, %and3A_277 : vector<128x512xi1>
        %eq3A_279 = vector.broadcast %slice3A_236 : vector<128x1xf32> to vector<128x512xf32>
        %eq3A_280 = vector.broadcast %get3A_213 : vector<1x512xf32> to vector<128x512xf32>
        %eq3A_281 = arith.cmpf oeq, %eq3A_279, %eq3A_280 : vector<128x512xf32>
        %and3A_282 = arith.andi %gt3A_267, %or3A_278 : vector<128x512xi1>
        %convert_element_type3A_283 = arith.extui %and3A_282 : vector<128x512xi1> to vector<128x512xi8>
        %not3A = arith.constant dense<true> : vector<128x512xi1>
        %not3A_284 = arith.xori %or3A_278, %not3A : vector<128x512xi1>
        %and3A_285 = arith.andi %gt3A_267, %not3A_284 : vector<128x512xi1>
        %not3A_286 = arith.constant dense<true> : vector<128x512xi1>
        %not3A_287 = arith.xori %eq3A_281, %not3A_286 : vector<128x512xi1>
        %and3A_288 = arith.andi %and3A_285, %not3A_287 : vector<128x512xi1>
        %convert_element_type3A_289 = arith.extui %and3A_288 : vector<128x512xi1> to vector<128x512xi8>
        %mul3A_290 = arith.constant 128 : i32
        %mul3A_291 = arith.muli %scan3A_38, %mul3A_290 : i32
        %swap3A_292 = arith.index_cast %mul3A_291 : i32 to index
        %swap3A_293 = arith.index_cast %mul3A_184 : i32 to index
        %swap3A_294 = vector.load %arg5[%swap3A_292, %swap3A_293] : memref<5120x5120xi8, #tpu.memory_space<vmem>>, vector<128x512xi8>
        tpu.vector_store %arg5[%swap3A_292, %swap3A_293], %convert_element_type3A_283 {strides = array<i32>} : memref<5120x5120xi8, #tpu.memory_space<vmem>>, vector<128x512xi8>,
        %transpose3A = tpu.transpose %convert_element_type3A_289, [1, 0] : vector<128x512xi8> -> vector<512x128xi8>
        %mul3A_295 = arith.constant 128 : i32
        %mul3A_296 = arith.muli %scan3A_38, %mul3A_295 : i32
        %swap3A_297 = arith.index_cast %mul3A_184 : i32 to index
        %swap3A_298 = arith.index_cast %mul3A_296 : i32 to index
        %swap3A_299 = vector.load %arg5[%swap3A_297, %swap3A_298] : memref<5120x5120xi8, #tpu.memory_space<vmem>>, vector<512x128xi8>
        tpu.vector_store %arg5[%swap3A_297, %swap3A_298], %transpose3A {strides = array<i32>} : memref<5120x5120xi8, #tpu.memory_space<vmem>>, vector<512x128xi8>,
      }
      %while3A_176 = arith.constant 1 : i32
      scf.for %while3A_177 = %while3A_174 to %while3A_170 step %while3A_176  : i32 {
        %mul3A_178 = arith.constant 4 : i32
        %mul3A_179 = arith.muli %while3A_177, %mul3A_178 : i32
        %add3A_180 = arith.addi %min3A_140, %mul3A_179 : i32
        %min3A_181 = arith.constant 36 : i32
        %min3A_182 = arith.minsi %add3A_180, %min3A_181 : i32
        %mul3A_183 = arith.constant 128 : i32
        %mul3A_184 = arith.muli %min3A_182, %mul3A_183 : i32
        %get3A_185 = arith.constant 5 : index
        %get3A_186 = arith.index_cast %mul3A_184 : i32 to index
        %get3A_187 = vector.load %arg2[%get3A_185, %get3A_186] : memref<8x5120xf32, #tpu.memory_space<vmem>>, vector<1x512xf32>
        %add3A_188 = arith.constant 1.000000e+00 : f32
        %add3A_189 = arith.addf %reduce_max3A_21, %add3A_188 : f32
        %mul3A_190 = vector.broadcast %add3A_189 : f32 to vector<1x512xf32>
        %mul3A_191 = arith.mulf %get3A_187, %mul3A_190 : vector<1x512xf32>
        %get3A_192 = arith.constant 0 : index
        %get3A_193 = arith.index_cast %mul3A_184 : i32 to index
        %get3A_194 = vector.load %arg2[%get3A_192, %get3A_193] : memref<8x5120xf32, #tpu.memory_space<vmem>>, vector<1x512xf32>
        %add3A_195 = arith.addf %get3A_194, %mul3A_191 : vector<1x512xf32>
        %get3A_196 = arith.constant 1 : index
        %get3A_197 = arith.index_cast %mul3A_184 : i32 to index
        %get3A_198 = vector.load %arg2[%get3A_196, %get3A_197] : memref<8x5120xf32, #tpu.memory_space<vmem>>, vector<1x512xf32>
        %add3A_199 = arith.addf %get3A_198, %mul3A_191 : vector<1x512xf32>
        %get3A_200 = arith.constant 2 : index
        %get3A_201 = arith.index_cast %mul3A_184 : i32 to index
        %get3A_202 = vector.load %arg2[%get3A_200, %get3A_201] : memref<8x5120xf32, #tpu.memory_space<vmem>>, vector<1x512xf32>
        %add3A_203 = arith.addf %get3A_202, %mul3A_191 : vector<1x512xf32>
        %get3A_204 = arith.constant 3 : index
        %get3A_205 = arith.index_cast %mul3A_184 : i32 to index
        %get3A_206 = vector.load %arg2[%get3A_204, %get3A_205] : memref<8x5120xf32, #tpu.memory_space<vmem>>, vector<1x512xf32>
        %add3A_207 = arith.addf %get3A_206, %mul3A_191 : vector<1x512xf32>
        %get3A_208 = arith.constant 4 : index
        %get3A_209 = arith.index_cast %mul3A_184 : i32 to index
        %get3A_210 = vector.load %arg2[%get3A_208, %get3A_209] : memref<8x5120xf32, #tpu.memory_space<vmem>>, vector<1x512xf32>
        %get3A_211 = arith.constant 7 : index
        %get3A_212 = arith.index_cast %mul3A_184 : i32 to index
        %get3A_213 = vector.load %arg2[%get3A_211, %get3A_212] : memref<8x5120xf32, #tpu.memory_space<vmem>>, vector<1x512xf32>
        %sub3A_214 = arith.subf %add3A_203, %add3A_195 : vector<1x512xf32>
        %sub3A_215 = arith.subf %add3A_207, %add3A_199 : vector<1x512xf32>
        %mul3A_216 = arith.mulf %sub3A_214, %sub3A_215 : vector<1x512xf32>
        %mul3A_217 = arith.constant 128 : i32
        %mul3A_218 = arith.muli %scan3A_38, %mul3A_217 : i32
        %get3A_219 = arith.index_cast %mul3A_218 : i32 to index
        %get3A_220 = arith.constant 0 : index
        %get3A_221 = vector.load %arg3[%get3A_219, %get3A_220] : memref<5120x8xf32, #tpu.memory_space<vmem>>, vector<128x8xf32>
        %slice3A_222 = vector.extract_strided_slice %get3A_221 {offsets = [0, 5], sizes = [128, 1], strides = [1, 1]} : vector<128x8xf32> to vector<128x1xf32>
        %add3A_223 = arith.constant 1.000000e+00 : f32
        %add3A_224 = arith.addf %reduce_max3A_21, %add3A_223 : f32
        %mul3A_225 = vector.broadcast %add3A_224 : f32 to vector<128x1xf32>
        %mul3A_226 = arith.mulf %slice3A_222, %mul3A_225 : vector<128x1xf32>
        %slice3A_227 = vector.extract_strided_slice %get3A_221 {offsets = [0, 0], sizes = [128, 1], strides = [1, 1]} : vector<128x8xf32> to vector<128x1xf32>
        %add3A_228 = arith.addf %slice3A_227, %mul3A_226 : vector<128x1xf32>
        %slice3A_229 = vector.extract_strided_slice %get3A_221 {offsets = [0, 1], sizes = [128, 1], strides = [1, 1]} : vector<128x8xf32> to vector<128x1xf32>
        %add3A_230 = arith.addf %slice3A_229, %mul3A_226 : vector<128x1xf32>
        %slice3A_231 = vector.extract_strided_slice %get3A_221 {offsets = [0, 2], sizes = [128, 1], strides = [1, 1]} : vector<128x8xf32> to vector<128x1xf32>
        %add3A_232 = arith.addf %slice3A_231, %mul3A_226 : vector<128x1xf32>
        %slice3A_233 = vector.extract_strided_slice %get3A_221 {offsets = [0, 3], sizes = [128, 1], strides = [1, 1]} : vector<128x8xf32> to vector<128x1xf32>
        %add3A_234 = arith.addf %slice3A_233, %mul3A_226 : vector<128x1xf32>
        %slice3A_235 = vector.extract_strided_slice %get3A_221 {offsets = [0, 4], sizes = [128, 1], strides = [1, 1]} : vector<128x8xf32> to vector<128x1xf32>
        %slice3A_236 = vector.extract_strided_slice %get3A_221 {offsets = [0, 7], sizes = [128, 1], strides = [1, 1]} : vector<128x8xf32> to vector<128x1xf32>
        %sub3A_237 = arith.subf %add3A_232, %add3A_228 : vector<128x1xf32>
        %sub3A_238 = arith.subf %add3A_234, %add3A_230 : vector<128x1xf32>
        %mul3A_239 = arith.mulf %sub3A_237, %sub3A_238 : vector<128x1xf32>
        %max3A_240 = vector.broadcast %add3A_228 : vector<128x1xf32> to vector<128x512xf32>
        %max3A_241 = vector.broadcast %add3A_195 : vector<1x512xf32> to vector<128x512xf32>
        %max3A_242 = arith.maximumf %max3A_240, %max3A_241 : vector<128x512xf32>
        %max3A_243 = vector.broadcast %add3A_230 : vector<128x1xf32> to vector<128x512xf32>
        %max3A_244 = vector.broadcast %add3A_199 : vector<1x512xf32> to vector<128x512xf32>
        %max3A_245 = arith.maximumf %max3A_243, %max3A_244 : vector<128x512xf32>
        %min3A_246 = vector.broadcast %add3A_232 : vector<128x1xf32> to vector<128x512xf32>
        %min3A_247 = vector.broadcast %add3A_203 : vector<1x512xf32> to vector<128x512xf32>
        %min3A_248 = arith.minimumf %min3A_246, %min3A_247 : vector<128x512xf32>
        %min3A_249 = vector.broadcast %add3A_234 : vector<128x1xf32> to vector<128x512xf32>
        %min3A_250 = vector.broadcast %add3A_207 : vector<1x512xf32> to vector<128x512xf32>
        %min3A_251 = arith.minimumf %min3A_249, %min3A_250 : vector<128x512xf32>
        %sub3A_252 = arith.subf %min3A_248, %max3A_242 : vector<128x512xf32>
        %max3A_253 = arith.constant 0.000000e+00 : f32
        %max3A_254 = vector.broadcast %max3A_253 : f32 to vector<128x512xf32>
        %max3A_255 = arith.maximumf %sub3A_252, %max3A_254 : vector<128x512xf32>
        %sub3A_256 = arith.subf %min3A_251, %max3A_245 : vector<128x512xf32>
        %max3A_257 = arith.constant 0.000000e+00 : f32
        %max3A_258 = vector.broadcast %max3A_257 : f32 to vector<128x512xf32>
        %max3A_259 = arith.maximumf %sub3A_256, %max3A_258 : vector<128x512xf32>
        %mul3A_260 = arith.mulf %max3A_255, %max3A_259 : vector<128x512xf32>
        %add3A_261 = vector.broadcast %mul3A_239 : vector<128x1xf32> to vector<128x512xf32>
        %add3A_262 = vector.broadcast %mul3A_216 : vector<1x512xf32> to vector<128x512xf32>
        %add3A_263 = arith.addf %add3A_261, %add3A_262 : vector<128x512xf32>
        %mul3A_264 = arith.constant 3.000000e+00 : f32
        %mul3A_265 = vector.broadcast %mul3A_264 : f32 to vector<128x512xf32>
        %mul3A_266 = arith.mulf %mul3A_265, %mul3A_260 : vector<128x512xf32>
        %gt3A_267 = arith.cmpf ogt, %mul3A_266, %add3A_263 : vector<128x512xf32>
        %gt3A_268 = vector.broadcast %slice3A_235 : vector<128x1xf32> to vector<128x512xf32>
        %gt3A_269 = vector.broadcast %get3A_210 : vector<1x512xf32> to vector<128x512xf32>
        %gt3A_270 = arith.cmpf ogt, %gt3A_268, %gt3A_269 : vector<128x512xf32>
        %eq3A_271 = vector.broadcast %slice3A_235 : vector<128x1xf32> to vector<128x512xf32>
        %eq3A_272 = vector.broadcast %get3A_210 : vector<1x512xf32> to vector<128x512xf32>
        %eq3A_273 = arith.cmpf oeq, %eq3A_271, %eq3A_272 : vector<128x512xf32>
        %lt3A_274 = vector.broadcast %slice3A_236 : vector<128x1xf32> to vector<128x512xf32>
        %lt3A_275 = vector.broadcast %get3A_213 : vector<1x512xf32> to vector<128x512xf32>
        %lt3A_276 = arith.cmpf olt, %lt3A_274, %lt3A_275 : vector<128x512xf32>
        %and3A_277 = arith.andi %eq3A_273, %lt3A_276 : vector<128x512xi1>
        %or3A_278 = arith.ori %gt3A_270, %and3A_277 : vector<128x512xi1>
        %eq3A_279 = vector.broadcast %slice3A_236 : vector<128x1xf32> to vector<128x512xf32>
        %eq3A_280 = vector.broadcast %get3A_213 : vector<1x512xf32> to vector<128x512xf32>
        %eq3A_281 = arith.cmpf oeq, %eq3A_279, %eq3A_280 : vector<128x512xf32>
        %and3A_282 = arith.andi %gt3A_267, %or3A_278 : vector<128x512xi1>
        %convert_element_type3A_283 = arith.extui %and3A_282 : vector<128x512xi1> to vector<128x512xi8>
        %not3A = arith.constant dense<true> : vector<128x512xi1>
        %not3A_284 = arith.xori %or3A_278, %not3A : vector<128x512xi1>
        %and3A_285 = arith.andi %gt3A_267, %not3A_284 : vector<128x512xi1>
        %not3A_286 = arith.constant dense<true> : vector<128x512xi1>
        %not3A_287 = arith.xori %eq3A_281, %not3A_286 : vector<128x512xi1>
        %and3A_288 = arith.andi %and3A_285, %not3A_287 : vector<128x512xi1>
        %convert_element_type3A_289 = arith.extui %and3A_288 : vector<128x512xi1> to vector<128x512xi8>
        %mul3A_290 = arith.constant 128 : i32
        %mul3A_291 = arith.muli %scan3A_38, %mul3A_290 : i32
        %swap3A_292 = arith.index_cast %mul3A_291 : i32 to index
        %swap3A_293 = arith.index_cast %mul3A_184 : i32 to index
        %swap3A_294 = vector.load %arg5[%swap3A_292, %swap3A_293] : memref<5120x5120xi8, #tpu.memory_space<vmem>>, vector<128x512xi8>
        tpu.vector_store %arg5[%swap3A_292, %swap3A_293], %convert_element_type3A_283 {strides = array<i32>} : memref<5120x5120xi8, #tpu.memory_space<vmem>>, vector<128x512xi8>,
        %transpose3A = tpu.transpose %convert_element_type3A_289, [1, 0] : vector<128x512xi8> -> vector<512x128xi8>
        %mul3A_295 = arith.constant 128 : i32
        %mul3A_296 = arith.muli %scan3A_38, %mul3A_295 : i32
        %swap3A_297 = arith.index_cast %mul3A_184 : i32 to index
        %swap3A_298 = arith.index_cast %mul3A_296 : i32 to index
        %swap3A_299 = vector.load %arg5[%swap3A_297, %swap3A_298] : memref<5120x5120xi8, #tpu.memory_space<vmem>>, vector<512x128xi8>
        tpu.vector_store %arg5[%swap3A_297, %swap3A_298], %transpose3A {strides = array<i32>} : memref<5120x5120xi8, #tpu.memory_space<vmem>>, vector<512x128xi8>,
      }
    }
    %scan3A_29 = arith.constant 40 : i32
    %broadcast_in_dim3A_30 = arith.constant 1.000000e+00 : f32
    %broadcast_in_dim3A_31 = vector.broadcast %broadcast_in_dim3A_30 : f32 to vector<1x5120xf32>
    %while3A = arith.constant true
    %while3A_32:2 = scf.while (%while3A_38 = %while3A, %while3A_39 = %broadcast_in_dim3A_31) : (i1, vector<1x5120xf32>) -> (i1, vector<1x5120xf32>) {
      scf.condition(%while3A_38) %while3A_38, %while3A_39 : i1, vector<1x5120xf32>
    } do {
    ^bb0(%while3A_38: i1, %while3A_39: vector<1x5120xf32>):
      %convert_element_type3A = arith.fptosi %while3A_39 : vector<1x5120xf32> to vector<1x5120xi8>
      %get3A_40 = arith.constant 0 : index
      %get3A_41 = arith.constant 0 : index
      %get3A_42 = vector.load %arg5[%get3A_40, %get3A_41] : memref<5120x5120xi8, #tpu.memory_space<vmem>>, vector<5120x5120xi8>
      %dot_general3A = arith.constant dense<0> : vector<1x5120xi32>
      %dot_general3A_43 = tpu.matmul %convert_element_type3A, %get3A_42, %dot_general3A {dimension_numbers = #tpu.dot_dimension_numbers<[1], [0], [0], [1], [0, 0, 1, 1], [], []>, transpose_lhs_hint = false} : vector<1x5120xi8>, vector<5120x5120xi8>, vector<1x5120xi32> -> vector<1x5120xi32>
      %eq3A = arith.constant 0 : i32
      %eq3A_44 = vector.broadcast %eq3A : i32 to vector<1x5120xi32>
      %eq3A_45 = arith.cmpi eq, %dot_general3A_43, %eq3A_44 : vector<1x5120xi32>
      %jit3A_46 = arith.constant 1.000000e+00 : f32
      %jit3A_47 = arith.constant 0.000000e+00 : f32
      %broadcast_in_dim3A_48 = vector.broadcast %jit3A_46 : f32 to vector<1x5120xf32>
      %broadcast_in_dim3A_49 = vector.broadcast %jit3A_47 : f32 to vector<1x5120xf32>
      %select_n3A_50 = arith.select %eq3A_45, %broadcast_in_dim3A_48, %broadcast_in_dim3A_49 : vector<1x5120xi1>, vector<1x5120xf32>
      %ne3A = arith.cmpf one, %select_n3A_50, %while3A_39 : vector<1x5120xf32>
      %reduce_or3A = arith.constant 1.000000e+00 : f32
      %reduce_or3A_51 = arith.constant 0.000000e+00 : f32
      %reduce_or3A_52 = vector.broadcast %reduce_or3A : f32 to vector<1x5120xf32>
      %reduce_or3A_53 = vector.broadcast %reduce_or3A_51 : f32 to vector<1x5120xf32>
      %reduce_or3A_54 = arith.select %ne3A, %reduce_or3A_52, %reduce_or3A_53 : vector<1x5120xi1>, vector<1x5120xf32>
      %reduce_or3A_55 = vector.shape_cast %reduce_or3A_54 : vector<1x5120xf32> to vector<1x1x5120xf32>
      %reduce_or3A_56 = arith.constant dense<0xFF800000> : vector<1xf32>
      %reduce_or3A_57 = vector.multi_reduction <maximumf>, %reduce_or3A_55, %reduce_or3A_56 [1, 2] : vector<1x1x5120xf32> to vector<1xf32>
      %reduce_or3A_58 = vector.shape_cast %reduce_or3A_57 : vector<1xf32> to vector<1x1x1xf32>
      %reduce_or3A_59 = vector.extract %reduce_or3A_58[0, 0, 0] : f32 from vector<1x1x1xf32>
      %reduce_or3A_60 = arith.constant 0.000000e+00 : f32
      %reduce_or3A_61 = arith.cmpf ogt, %reduce_or3A_59, %reduce_or3A_60 : f32
      scf.yield %reduce_or3A_61, %select_n3A_50 : i1, vector<1x5120xf32>
    }
    %broadcast_in_dim3A_33 = arith.constant 0.000000e+00 : f32
    %broadcast_in_dim3A_34 = vector.broadcast %broadcast_in_dim3A_33 : f32 to vector<7x5120xf32>
    %concatenate3A = tpu.concatenate %while3A_32#1, %broadcast_in_dim3A_34 in 0 : vector<1x5120xf32>, vector<7x5120xf32> -> vector<8x5120xf32>
    %swap3A_35 = arith.constant 0 : index
    %swap3A_36 = arith.constant 0 : index
    %swap3A_37 = vector.load %arg4[%swap3A_35, %swap3A_36] : memref<8x5120xf32, #tpu.memory_space<vmem>>, vector<8x5120xf32>
    tpu.vector_store %arg4[%swap3A_35, %swap3A_36], %concatenate3A {strides = array<i32>} : memref<8x5120xf32, #tpu.memory_space<vmem>>, vector<8x5120xf32>,
    return
  }
}

</mosaic_0001>

<sc_bundles>
// kernel: gather_offload_async_start
scs
__scs_entry_jumppad:
0x0: {  	(pc) =	sbr.rel $0x88, $3  }
0x1: {  	(tag) =	ssettag $0x0;
	lr =	simm.s32 $0x1  }
0x2: {  	[smem:$0x3F9E] =	sst lr;
	_ =	strace $0xD0000000  }
0x3: {  	_ = 	snop  }
0x4: {  	_ = 	snop  }
0x5: {  	_ = 	snop  }
0x6: {  	_ = 	snop  }
0x7: {  	_ = 	snop  }
__scs_overlays_trampoline_lowered:
0x8: {  	[smem:$0x3FAD] =	sst s0  }
0x9: {  	[smem:$0x3FAE] =	sst s1  }
0xa: {  	[smem:$0x3FAF] =	sst s2  }
0xb: {  	[smem:$0x3FB0] =	sst s3  }
0xc: {  	[smem:$0x3FB1] =	sst s4  }
0xd: {  	[smem:$0x3FB2] =	sst s5  }
0xe: {  	[smem:$0x3FB3] =	sst s6  }
0xf: {  	[smem:$0x3FB4] =	sst s7  }
0x10: {  	[smem:$0x3FB5] =	sst s8  }
0x11: {  	[smem:$0x3FB6] =	sst s9;
	s0 =	simm.s32 @!p0 $0x0  }
0x12: {  	s1 =	sld [smem:$0x3F9C];
	s0 =	simm.s32 @p0 $0x1  }
0x13: {  	[smem:$0x3FB7] =	sst s0;
	s0 =	simm.s32 @!p1 $0x0  }
0x14: {  	s2 =	sld [smem:$0x3F9B];
	s0 =	simm.s32 @p1 $0x1  }
0x15: {  	[smem:$0x3FB8] =	sst s0;
	s0 =	simm.s32 @!p2 $0x0  }
0x16: {  	s3 =	sld [smem:$0x3FDB];
	s0 =	simm.s32 @p2 $0x1  }
0x17: {  	s4 =	simm.s32 $0x1BF5;
	[smem:$0x3FBA] =	sst s0  }
0x18: {  	s0 =	sld [smem:$0x3F9D];
	_ =	swait.ge [sflag:s4], $0x0  }
0x19: {  	s7 =	sld [smem:$0x3F9E]  }
0x1a: {  	s8 =	sadd.s32 $0xFFFFE003, lr  }
0x1b: {  	s9 =	sadd.s32 $0xFFFFFEF7, lr;
	s5 =	simm.s32 $0xFFFFFFFF;
	p2 =	slt.u32 s8, $0xFFFFF086  }
0x1c: {  	p1 =	slt.u32 s9, $0xF7A;
	s5 =	simm.s32 @!p2 $0x0  }
0x1d: {  	s5 =	simm.s32 @p1 $0x1;
	p0 =	seq.s32 s7, s2  }
0x1e: {  	s7 =	smul.u32 @!p0 $0xF7A, s2;
	p2 =	seq.s32 @!p0 s5, $0x0  }
0x1f: {  	s9 =	smul.u32 $0xF7A, s1;
	s8 =	simm.s32 @!p0 $0x1BF5;
	p2 =	por !p2, p0  }
0x20: {  	[sflag:s8] =	ssyncset.s32 @!p0 $0xFFFFF086;
	s6 =	sadd.s32 @!p0 s3, s7;
	s7 =	simm.s32 @!p0 $0x108  }
0x21: {  	s3 =	sadd.s32 s3, s9;
	s6 =	sadd.s32 @!p0 $0x88, s6;
	s7 =	simm.s32 @p2 $0x1082  }
0x22: {  	[simem:s7], [sflag:s8] =	dma.local @!p0 [hbm:s6], $0xF7A  }
0x23: {  	s9 =	sor.u32 $0xD0000000, s2;
	s6 =	simm.s32 $0x108;
	_ =	swait.ge @!p0 [sflag:s8], $0x0  }
0x24: {  	s3 =	sadd.s32 $0x88, s3;
	s6 =	simm.s32 @!p1 $0x1082;
	[sflag:s4] =	ssyncset.s32 $0xFFFFF086  }
0x25: {  	[simem:s6], [sflag:s4] =	dma.local [hbm:s3], $0xF7A  }
0x26: {  	[smem:$0x3F9E] =	sst s1;
	(tag) =	ssettag s2;
	_ =	strace s9  }
0x27: {  	s1 =	sld [smem:$0x3FAE]  }
0x28: {  	s2 =	sld [smem:$0x3FAF]  }
0x29: {  	s4 =	sld [smem:$0x3FB1]  }
0x2a: {  	p0 =	seq.s32 s5, $0x0;
	s5 =	sld [smem:$0x3FB2]  }
0x2b: {  	s6 =	sld [smem:$0x3FB3]  }
0x2c: {  	s7 =	sld [smem:$0x3FB4]  }
0x2d: {  	s3 =	simm.s32 $0x108;
	s8 =	sld [smem:$0x3FB5]  }
0x2e: {  	s3 =	simm.s32 @!p0 $0x1082;
	s9 =	sld [smem:$0x3FB6]  }
0x2f: {  	lr =	sadd.s32 s0, s3;
	s0 =	sld [smem:$0x3FAD]  }
0x30: {  	s3 =	sld [smem:$0x3FB0]  }
0x31: {  	[smem:$0x3FB9] =	sst s10  }
0x32: {  	s10 =	sld [smem:$0x3FB7];
	_ =	sdelay $0x3  }
0x33: {  	p0 =	seq.s32 s10, $0x1;
	s10 =	sld [smem:$0x3FB9];
	_ =	sdelay $0x3  }
0x34: {  	[smem:$0x3FB9] =	sst s10  }
0x35: {  	s10 =	sld [smem:$0x3FB8];
	_ =	sdelay $0x3  }
0x36: {  	p1 =	seq.s32 s10, $0x1;
	s10 =	sld [smem:$0x3FB9];
	_ =	sdelay $0x3  }
0x37: {  	[smem:$0x3FB9] =	sst s10  }
0x38: {  	s10 =	sld [smem:$0x3FBA]  }
0x39: {  	_ = 	snop;
	(pc) =	sbr.ind lr, $3  }
0x3a: {  	_ = 	snop  }
0x3b: {  	_ = 	snop  }
0x3c: {  	p2 =	seq.s32 s10, $0x1;
	s10 =	sld [smem:$0x3FB9]  }
0x3d: {  	_ =	shalt  }
0x3e: {  	_ =	shalt  }
0x3f: {  	_ =	shalt  }
0x40: {  	_ =	shalt  }
0x41: {  	_ =	shalt  }
0x42: {  	_ =	shalt  }
0x43: {  	_ =	shalt  }
0x44: {  	_ =	shalt  }
0x45: {  	_ =	shalt  }
0x46: {  	_ =	shalt  }
0x47: {  	_ =	shalt  }
0x48: {  	_ =	shalt  }
0x49: {  	_ =	shalt  }
0x4a: {  	_ =	shalt  }
0x4b: {  	_ =	shalt  }
0x4c: {  	_ =	shalt  }
0x4d: {  	_ =	shalt  }
0x4e: {  	_ =	shalt  }
0x4f: {  	_ =	shalt  }
0x50: {  	_ =	shalt  }
0x51: {  	_ =	shalt  }
0x52: {  	_ =	shalt  }
0x53: {  	_ =	shalt  }
0x54: {  	_ =	shalt  }
0x55: {  	_ =	shalt  }
0x56: {  	_ =	shalt  }
0x57: {  	_ =	shalt  }
0x58: {  	_ =	shalt  }
0x59: {  	_ =	shalt  }
0x5a: {  	_ =	shalt  }
0x5b: {  	_ =	shalt  }
0x5c: {  	_ =	shalt  }
0x5d: {  	_ =	shalt  }
0x5e: {  	_ =	shalt  }
0x5f: {  	_ =	shalt  }
0x60: {  	_ =	shalt  }
0x61: {  	_ =	shalt  }
0x62: {  	_ =	shalt  }
0x63: {  	_ =	shalt  }
0x64: {  	_ =	shalt  }
0x65: {  	_ =	shalt  }
0x66: {  	_ =	shalt  }
0x67: {  	_ =	shalt  }
0x68: {  	_ =	shalt  }
0x69: {  	_ =	shalt  }
0x6a: {  	_ =	shalt  }
0x6b: {  	_ =	shalt  }
0x6c: {  	_ =	shalt  }
0x6d: {  	_ =	shalt  }
0x6e: {  	_ =	shalt  }
0x6f: {  	_ =	shalt  }
0x70: {  	_ =	shalt  }
0x71: {  	_ =	shalt  }
0x72: {  	_ =	shalt  }
0x73: {  	_ =	shalt  }
0x74: {  	_ =	shalt  }
0x75: {  	_ =	shalt  }
0x76: {  	_ =	shalt  }
0x77: {  	_ =	shalt  }
0x78: {  	_ =	shalt  }
0x79: {  	_ =	shalt  }
0x7a: {  	_ =	shalt  }
0x7b: {  	_ =	shalt  }
0x7c: {  	_ =	shalt  }
0x7d: {  	_ =	shalt  }
0x7e: {  	_ =	shalt  }
0x7f: {  	_ =	shalt  }
0x80: {  	_ =	shalt  }
0x81: {  	_ =	shalt  }
0x82: {  	_ =	shalt  }
0x83: {  	_ =	shalt  }
0x84: {  	_ =	shalt  }
0x85: {  	_ =	shalt  }
0x86: {  	_ =	shalt  }
0x87: {  	_ =	shalt  }
.Lfunc_end0:
.L_simem_size_0:
called_computation_lowered:
.L_overlay_start_0:
0x88: {  	s0 =	sld [smem:$0x3FD9]  }
0x89: {  	s1 =	sld [smem:$0x3FFE];
	_ =	sdelay $0x3  }
0x8a: {  	s0 =	sadd.s32 s1, s0  }
0x8b: {  	[smem:$0x3FC5] =	sst s0  }
0x8c: {  	_ = 	snop  }
0x8d: {  	s0 =	sld [smem:$0x3FD0];
	_ =	sdelay $0x2  }
0x8e: {  	s13 =	simm.s32 $0xA;
	s2 =	simm.s32 $0x10  }
0x8f: {  	[smem:s2], [sflag:s13] =	dma.local [hbm:s0], $0x1  }
0x90: {  	_ =	swait.eq [sflag:s13], $0x1  }
0x91: {  	[sflag:s13] =	ssyncset.done $0x0  }
0x92: {  	[sflag:s13] =	ssyncadd.s32 $0xFFFFFFFF  }
0x93: {  	s14 =	sld [smem:$0x11];
	(tm) =	ssettm $0x1  }
0x94: {  	s15 =	sld [smem:$0x3FFB];
	_ =	sdelay $0x3  }
0x95: {  	_ =	strace s15  }
0x96: {  	s1 =	sld [smem:$0x3FFC];
	_ =	sdelay $0x3  }
0x97: {  	_ =	strace s1  }
0x98: {  	s1 =	sld [smem:$0x3FFD];
	_ =	sdelay $0x3  }
0x99: {  	_ =	strace s1  }
0x9a: {  	_ =	strace $0x8FFFFFFF  }
0x9b: {  	s16 =	sld [smem:$0x3FDB];
	_ =	sdelay $0x1  }
0x9c: {  	s17 =	simm.s32 $_scs_section_size  }
0x9d: {  	s3 =	simm.s32 $_size__tile_overlayer_lowered;
	s4 =	simm.s32 $_tile_overlayer_lowered  }
0x9e: {  	s20 =	simm.s32 $0x1BFF;
	s19 =	sshll.u32 s4, $0x1;
	s1 =	sadd.s32 s17, s16  }
0x9f: {  	s5 =	simm.s32 $0x0;
	s18 =	sshll.u32 s3, $0x1;
	s3 =	sadd.s32 s19, s1  }
0xa0: {  	[timem:s5], [sflag:s20] =	dma.local [hbm:s3], s18  }
0xa1: {  	_ =	swait.ge [sflag:s20], s18  }
0xa2: {  	s2 =	ssub.s32 $0x0, s18;
	[sflag:s20] =	ssyncset.done $0x0  }
0xa3: {  	[sflag:s20] =	ssyncadd.s32 s2;
	_ =	sdelay $0x1  }
0xa4: {  	s21 =	simm.s32 $0x1B8B  }
0xa5: {  	_ =	swait.ge [sflag:s21], $0x1  }
0xa6: {  	[sflag:s21] =	ssyncset.done $0x0  }
0xa7: {  	s23 =	simm.s32 $0x1B8E;
	s22 =	sld [smem:$0x3FFE];
	[sflag:s21] =	ssyncadd.s32 $0xFFFFFFFF  }
0xa8: {  	s24 =	simm.s32 $execute0_lowered;
	[smem:$0x3FD2] =	sst s23  }
0xa9: {  	s3 =	sshll.u32 s24, $0x1;
	_ =	strace $0x80000046;
	[dreg:$0x1] =	wrdreg $0xFFFFFFFF  }
0xaa: {  	s25 =	simm.s32 $_size_execute0_lowered;
	s1 =	sadd.s32 s1, s3;
	[dreg:$0x0] =	wrdreg $0x0  }
0xab: {  	s3 =	sshll.u32 s25, $0x1;
	[dreg:$0x2] =	wrdreg s1  }
0xac: {  	[dreg:$0x3] =	wrdreg s3  }
0xad: {  	[dreg:$0x4] =	wrdreg $0xC0  }
0xae: {  	_ =	task [dreg:s5], $0x5FFFF  }
0xaf: {  	[dreg:$0x1] =	wrdreg $0xFFFFFFFF  }
0xb0: {  	[dreg:$0x0] =	wrdreg $0x60  }
0xb1: {  	[dreg:$0x2] =	wrdreg s22  }
0xb2: {  	[dreg:$0x3] =	wrdreg s14  }
0xb3: {  	[dreg:$0x4] =	wrdreg $0x9  }
0xb4: {  	_ =	task.clear_ibuf [dreg:s5], $0x5FFFF;
	_ =	strace $0x90000046  }
0xb5: {  	s26 =	simm.s32 $0x9;
	_ =	strace $0x80000048  }
0xb6: {  	_ =	swait.ge [sflag:s26], $0x1  }
0xb7: {  	[sflag:s26] =	ssyncadd.s32 $0xFFFFFFFF  }
0xb8: {  	_ =	strace $0x90000048  }
0xb9: {  	_ =	sfence  }
0xba: {  	s28 =	sld [smem:$0x0];
	_ =	sdelay $0x1  }
0xbb: {  	s29 =	srdreg.scid  }
0xbc: {  	s30 =	sshll.u32 s29, $0xD;
	s31 =	sshrl.u32 s29, $0x2  }
0xbd: {  	s2 =	sand.u32 $0x4000, s30;
	s1 =	sand.u32 $0x1, s29;
	s0 =	sadd.s32 s31, s28  }
0xbe: {  	s1 =	sor.u32 s2, s1;
	s0 =	sshll.u32 s0, $0x11  }
0xbf: {  	s0 =	sor.u32 s0, s1  }
0xc0: {  	s0 =	sadd.s32 $0x8F2B, s0  }
0xc1: {  	[sflag:s0] =	ssyncadd.remote.s32 $0x1  }
0xc2: {  	_ =	sfence.sel $0xFFFF  }
0xc3: {  	[dreg:$0x0] =	wrdreg $0xFFFFFFFF;
	(pc) =	sbr.abs _section_cstart, $3  }
0xc4: {  	[dreg:$0x1] =	wrdreg $0xFFFFFFFF  }
0xc5: {  	_ =	task.clear_ibuf [dreg:s5], $0x2FFFF;
	_ =	strace $0x9FFFFFFF  }
0xc6: {  	(tm) =	ssettm $0x7FFFFFFF  }
0xc7: {  	_ =	shalt  }
tec
execute0_lowered:
.L_overlay_start_1:
0x0: {  	(tag) =	ssettag $0x1  }
0x1: {  	s0 =	stileid.u32  }
0x2: {  	s1 =	smin.u32 s0, $0x9  }
0x3: {  	s1 =	sadd.s32 s0, s1  }
0x4: {  	s2 =	simm.s32 $0x190;
	p0 =	slt.u32 s0, $0x9;
	s1 =	smul.u32 $0xC8, s1  }
0x5: {  	s2 =	simm.s32 @!p0 $0xC8  }
0x6: {  	s2 =	sadd.s32 s2, s1  }
0x7: {  	s3 =	smin.u32 s2, $0x1388  }
0x8: {  	s7 =	ssub.s32 s3, s1  }
0x9: {  	p0 =	sgt.s32 s7, $0x0  }
0xa: {  	s7 =	simm.s32 @!p0 $0x0  }
0xb: {  	s31 =	sand.u32 $0xFFF8, s7  }
0xc: {  	s2 =	sshrl.u32 s31, $0x3  }
0xd: {  	s9 =	rddreg [dreg:$0x0];
	s2 =	smul.u32 $0x147B, s2  }
0xe: {  	s4 =	rddreg [dreg:$0x1];
	s6 =	simm.s32 $0x1  }
0xf: {  	s11 =	simm.s32 $0x3;
	s13 =	simm.s32 $0x0;
	s8 =	sshrl.u32 s2, $0x11  }
0x10: {  	s12 =	simm.s32 $0x0;
	s5 =	sadd.s32 $0x200, s9;
	s10 =	smul.u32 $0xC8, s8  }
.Ltmp0:
0x11: {  	s9 =	sadd.s32 $0x13C00, s9;
	s2 =	rddreg [dreg:$0x2];
	(pc) =	sbr.rel .LBB2_1-.Ltmp0, $4  }
0x12: {  	_ =	strace $0x80000047;
	p0 =	sne.s32 s7, s10;
	s10 =	simm.s32 $0x1  }
0x13: {  	[sflag:s6] =	ssyncpa.u1 $0x0;
	s7 =	simm.s32 $0x2;
	s10 =	simm.s32 @!p0 $0x0  }
0x14: {  	[sflag:s7] =	ssyncpa.u1 $0x0;
	p0 =	por $0x0, $0x0;
	s8 =	sadd.s32 s8, s10  }
0x15: {  	vm0 =	vmmov $0xff;
	vm1 =	vcmask $0x3F20;
	[sflag:s11] =	ssyncpa.u1 $0x0;
	s11 =	smov.u32 s1;
	s10 =	sadd.s32 $0x1, s8  }
.LBB2_6:
0x16: {  	[hbm:s17] =	stream.linear.scatter [tilespmem:s14], [sflag:$0x3], $0x400, $0x38;
	[tilespmem:$0xC990] =	vst v63  }
.LBB2_7:
0x17: {  	s13 =	sadd.s32 $0xC8, s11  }
0x18: {  	s15 =	smov.u32 s1;
	p2 =	slt.s32 s13, s3  }
0x19: {  	s15 =	smov.u32 @p2 s13;
	p2 =	sne.s32 s12, s10  }
.Ltmp1:
0x1a: {  	p1 =	slt.u32 s12, $0x2;
	(pc) =	sbr.rel @!p2 .LBB2_8-.Ltmp1, $4  }
0x1b: {  	s14 =	simm.s32 @!p1 $0x3  }
0x1c: {  	s16 =	sadd.s32 $0x1, s12;
	_ =	swait.ge @!p1 [sflag:s14], $0x6400  }
0x1d: {  	p0 =	por !p0, !p0;
	s13 =	smov.u32 s11;
	[sflag:s14] =	ssyncset.done @!p1 $0x0  }
0x1e: {  	s12 =	smov.u32 s16;
	s11 =	smov.u32 s15;
	[sflag:s14] =	ssyncadd.s32 @!p1 $0xFFFF9C00  }
.LBB2_1:
0x1f: {  	p1 =	sge.u32 s12, s8  }
0x20: {  	s14 =	sxor.u32 @!p1 $0xFFFFFFFF, s12  }
0x21: {  	s14 =	sand.u32 @!p1 $0x1, s14  }
0x22: {  	s14 =	smul.u32 @!p1 $0x320, s14  }
0x23: {  	s31 =	sadd.s32 $0xFFFFFFFF, s12;
	s15 =	sshrl.u32 @!p1 s11, $0x3  }
0x24: {  	s16 =	sand.u32 @!p1 $0x7, s11;
	s15 =	sadd.s32 @!p1 s4, s15;
	s14 =	sshrl.u32 @!p1 s14, $0x2  }
0x25: {  	[tilespmem:s14], [sflag:$0x2] =	stream.linear.gather @!p1 [hbm4b:s15+s16], $0xC8, $0x38;
	[tilespmem:$0xC990] =	vst v63  }
0x26: {  	p1 =	sge.u32 s31, s8  }
.Ltmp2:
0x27: {  	_ = 	snop;
	(pc) =	sbr.rel @p1 .LBB2_7-.Ltmp2, $1  }
0x28: {  	_ =	sdelay $0x3  }
0x29: {  	s14 =	simm.s32 $0x1  }
0x2a: {  	s14 =	simm.s32 @!p0 $0x0  }
0x2b: {  	s15 =	smul.u32 $0x320, s14  }
0x2c: {  	_ =	swait.ge [sflag:s7], $0xC8  }
0x2d: {  	[sflag:s7] =	ssyncset.done $0x0;
	s16 =	sshrl.u32 s15, $0x2  }
0x2e: {  	[sflag:s7] =	ssyncadd.s32 $0xFFFFFF38;
	s15 =	sadd.s32 $0x0, s16  }
0x2f: {  	v0 =	vld.msk [tilespmem:s15+$0x0 ss:$0x1], $0xffff;
	_ =	sdelay $0x4  }
0x30: {  	vm2 =	vgt.s32 v0, $0x0  }
0x31: {  	v0 =	vnsel vm2, $0x0, v0  }
0x32: {  	v0 =	vmin.u32 v0, $0x1387  }
0x33: {  	v0 =	vshll.u32 v0, $0x4  }
0x34: {  	s14 =	smul.u32 $0x19000, s14  }
0x35: {  	s31 =	sand.u32 $0x1, s12  }
0x36: {  	s17 =	smul.u32 $0x320, s31;
	s14 =	sshrl.u32 s14, $0x2  }
0x37: {  	s19 =	smul.u32 $0x19000, s31;
	s14 =	sor.u32 $0x190, s14  }
0x38: {  	[tilespmem:s14], [sflag:$0x1] =	stream.indirect_vreg.gather [hbm:s5], $0x80, v0, vm0, $0x38;
	[tilespmem:$0xC990] =	vst v63  }
0x39: {  	s18 =	sshrl.u32 s17, $0x2;
	s20 =	sadd.s32 $0x10, s16;
	s15 =	sadd.s32 $0x400, s14  }
0x3a: {  	[tilespmem:s15], [sflag:$0x1] =	stream.indirect_vreg.gather [hbm:s5], $0x80, v0, vm1, $0x38;
	[tilespmem:$0xC990] =	vst v63  }
0x3b: {  	s17 =	sshrl.u32 s19, $0x2;
	s19 =	smov.u32 s14;
	v0 =	vld.msk [tilespmem:s20+$0x0 ss:$0x1], $0xffff;
	s20 =	simm.s32 $0x80  }
.LBB2_3:
0x3c: {  	p1 =	sne.s32 s20, $0x2C0;
	_ =	sdelay $0x4  }
0x3d: {  	vm2 =	vgt.s32 v0, $0x0  }
0x3e: {  	v0 =	vnsel vm2, $0x0, v0  }
0x3f: {  	v0 =	vmin.u32 v0, $0x1387  }
0x40: {  	v0 =	vshll.u32 v0, $0x4;
	_ =	sdelay $0x3  }
.Ltmp3:
0x41: {  	s21 =	sshra.s32 s20, $0x2;
	s19 =	sadd.s32 $0x800, s19;
	(pc) =	sbr.rel @p1 .LBB2_3-.Ltmp3, $4  }
0x42: {  	[tilespmem:s19], [sflag:$0x1] =	stream.indirect_vreg.gather [hbm:s5], $0x80, v0, vm0, $0x38;
	[tilespmem:$0xC990] =	vst v63  }
0x43: {  	s21 =	sadd.s32 s21, s16;
	s22 =	sadd.s32 $0x400, s19  }
0x44: {  	[tilespmem:s22], [sflag:$0x1] =	stream.indirect_vreg.gather [hbm:s5], $0x80, v0, vm1, $0x38;
	[tilespmem:$0xC990] =	vst v63  }
0x45: {  	s20 =	sadd.s32 $0x40, s20;
	v0 =	vld.msk [tilespmem:s21+$0x0 ss:$0x1], $0xffff  }
0x46: {  	_ =	sdelay $0x3  }
0x47: {  	vm2 =	vgt.s32 v0, $0x0  }
0x48: {  	v0 =	vnsel vm2, $0x0, v0  }
0x49: {  	v0 =	vmin.u32 v0, $0x1387  }
0x4a: {  	v0 =	vshll.u32 v0, $0x4;
	_ =	sdelay $0x3  }
0x4b: {  	s16 =	sadd.s32 $0x800, s19  }
0x4c: {  	[tilespmem:s16], [sflag:$0x1] =	stream.indirect_vreg.gather [hbm:s5], $0x80, v0, vm0, $0x38;
	[tilespmem:$0xC990] =	vst v63  }
0x4d: {  	s16 =	sadd.s32 $0x400, s16  }
0x4e: {  	[tilespmem:s16], [sflag:$0x1] =	stream.indirect_vreg.gather [hbm:s5], $0x80, v0, vm1, $0x38;
	[tilespmem:$0xC990] =	vst v63  }
0x4f: {  	v0 =	vld.msk [tilespmem:s18+$0xC0 ss:$0x1], $0xff;
	_ =	sdelay $0x4  }
0x50: {  	vm2 =	vgt.s32 v0, $0x0  }
0x51: {  	v0 =	vnsel vm2, $0x0, v0  }
0x52: {  	v0 =	vmin.u32 v0, $0x1387  }
0x53: {  	v0 =	vshll.u32 v0, $0x4;
	_ =	sdelay $0x3  }
0x54: {  	s31 =	sadd.s32 $0x6190, s17  }
0x55: {  	[tilespmem:s31], [sflag:$0x1] =	stream.indirect_vreg.gather [hbm:s5], $0x80, v0, vm0, $0x38;
	[tilespmem:$0xC990] =	vst v63  }
0x56: {  	s13 =	sshll.u32 s13, $0x4;
	_ =	swait.ge [sflag:s6], $0x6400  }
0x57: {  	s13 =	sadd.s32 s13, s9;
	[sflag:s6] =	ssyncset.done $0x0  }
0x58: {  	s17 =	sadd.s32 $0x0, s13;
	s16 =	simm.s32 $0x80;
	[sflag:s6] =	ssyncadd.s32 $0xFFFF9C00  }
.LBB2_5:
0x59: {  	[hbm:s17] =	stream.linear.scatter [tilespmem:s14], [sflag:$0x3], $0x400, $0x38;
	[tilespmem:$0xC990] =	vst v63  }
0x5a: {  	s17 =	smov.u32 s16;
	s14 =	smov.u32 s15;
	p1 =	sne.s32 s16, $0xC00  }
.Ltmp4:
0x5b: {  	s16 =	sadd.s32 $0x80, s16;
	(pc) =	sbr.rel @p1 .LBB2_5-.Ltmp4, $2  }
0x5c: {  	_ =	sdelay $0x2  }
0x5d: {  	s15 =	sadd.s32 $0x400, s15;
	s17 =	sadd.s32 s17, s13  }
.Ltmp5:
0x5e: {  	_ = 	snop;
	(pc) =	sbr.rel .LBB2_6-.Ltmp5, $1  }
0x5f: {  	_ =	sdelay $0x3  }
.LBB2_8:
0x60: {  	_ =	sfence.sel $0x180000  }
0x61: {  	s1 =	simm.s32 $0x2;
	[bflag:$0x0] =	sbarrier.arrive $0xFFFF  }
0x62: {  	s30 =	simm.s32 $0x3;
	[sflag:s1] =	ssyncpa.u1 $0x1  }
0x63: {  	s31 =	simm.s32 $0x1;
	[sflag:s30] =	ssyncpa.u1 $0x1  }
0x64: {  	[sflag:s31] =	ssyncpa.u1 $0x1  }
0x65: {  	p0 =	sne.s32 s0, $0x0;
	_ =	strace $0x90000047  }
0x66: {  	s0 =	sadd.s32 @!p0 $0x100000, s2;
	[bflag:$0x2] =	sbarrier.arrive $0xFFFF  }
0x67: {  	[sflag:s0] =	ssyncadd.tile.s32 @!p0 $0x1;
	_ =	shalt  }
.Lfunc_end2:
_tile_overlayer_lowered:
.L_overlay_start_2:
0x68: {  	(tag) =	ssettag $0x2  }
0x69: {  	s0 =	rddreg [dreg:$0x0];
	s2 =	stileid.u32  }
0x6a: {  	s1 =	rddreg [dreg:$0x1];
	p0 =	sne.s32 s2, $0x0  }
0x6b: {  	s3 =	rddreg [dreg:$0x2];
	[bflag:$0x3] =	sbarrier.arrive $0xFFFF;
	s2 =	simm.s32 @!p0 $0x1C01  }
0x6c: {  	[timem:s3], [sflag:s2] =	dma.local @!p0 [hbm:s0], s1  }
0x6d: {  	s0 =	simm.s32 @!p0 $0x1  }
0x6e: {  	_ =	swait.ge @!p0 [sflag:s0], s1  }
0x6f: {  	s1 =	ssub.s32 @!p0 $0x0, s1;
	[sflag:s0] =	ssyncset.done @!p0 $0x0  }
0x70: {  	[sflag:s0] =	ssyncadd.s32 @!p0 s1  }
0x71: {  	[bflag:$0x3] =	sbarrier.arrive $0xFFFF  }
0x72: {  	_ =	shalt  }

</sc_bundles>
